<compile_context>
chip_gen: v7x
topology: tpu7x:2x2x1
jax: 0.10.2.dev20260603
libtpu: 0.0.44.dev20260713+nightly
codegen_flags: <defaults>
</compile_context>

<pallas_src>
import functools

import jax
import jax.numpy as jnp
from jax import lax
from jax.experimental import pallas as pl
from jax.experimental.pallas import tpu as pltpu
from jax.experimental.pallas import tpu_sc as plsc

N_INST = 10000
N_NET = 2000
N = N_INST + N_NET
E = 320000
D = 128
NC = 2
NS = 16
N_PAD = 12288
ROWS_PER_TILE = N_PAD // NS
CHUNK = 80
E_PER_W = E // NS
N_CHUNKS = E_PER_W // CHUNK
E_DIR = E
ZROWS = 16


def _leaky(v):
    return jnp.where(v >= 0, v, 0.1 * v)


def _deg_body(dst_hbm, out_hbm, hist_v, idx_v):
    c = lax.axis_index("c")
    s = lax.axis_index("s")
    zeros16 = jnp.zeros((16,), jnp.float32)
    ones16 = jnp.ones((16,), jnp.float32)

    def zero_step(i, _):
        hist_v[pl.ds(i * 16, 16)] = zeros16
        return 0

    lax.fori_loop(0, N_PAD // 16, zero_step, 0)

    pltpu.sync_copy(dst_hbm.at[pl.ds(c * E_DIR + s * E_PER_W, E_PER_W)], idx_v)

    def inner(j, _):
        idx = idx_v[pl.ds(j * 16, 16)]
        plsc.addupdate_scatter(hist_v, [idx], ones16)
        return 0

    lax.fori_loop(0, E_PER_W // 16, inner, 0)
    pltpu.sync_copy(hist_v, out_hbm.at[pl.ds((c * NS + s) * N_PAD, N_PAD)])


@jax.jit
def _deg_kernel(dst_flat):
    mesh = plsc.VectorSubcoreMesh(core_axis_name="c", subcore_axis_name="s")
    return pl.kernel(
        _deg_body,
        out_type=jax.ShapeDtypeStruct((NC * NS * N_PAD,), jnp.float32),
        mesh=mesh,
        scratch_types=[
            pltpu.VMEM((N_PAD,), jnp.float32),
            pltpu.VMEM((E_PER_W,), jnp.int32),
        ],
        compiler_params=pltpu.CompilerParams(needs_layout_passes=False),
    )(dst_flat)


def _edge_body(g2_hbm, src_hbm, dst_hbm, out_hbm, srcA_v, srcB_v, dstA_v,
               dstB_v, rows0_v, rows1_v, zero_v, acc_sh, gsem0, gsem1,
               isem0, isem1, zsem):
    c = lax.axis_index("c")
    s = lax.axis_index("s")
    zeros16 = jnp.zeros((16,), jnp.float32)
    lane = lax.iota(jnp.int32, 16)

    def zero_step(i, _):
        r = jnp.full((16,), i // (D // 16), jnp.int32)
        col = (i % (D // 16)) * 16 + lane
        plsc.store_scatter(zero_v, [r, col], zeros16)
        return 0

    lax.fori_loop(0, ZROWS * (D // 16), zero_step, 0)

    def zfill(i, _):
        pltpu.async_copy(
            zero_v, acc_sh.at[pl.ds(s * ROWS_PER_TILE + i * ZROWS, ZROWS)], zsem)
        return 0

    lax.fori_loop(0, ROWS_PER_TILE // ZROWS, zfill, 0)

    def zdrain(i, _):
        pltpu.make_async_copy(
            zero_v, acc_sh.at[pl.ds(s * ROWS_PER_TILE + i * ZROWS, ZROWS)], zsem
        ).wait()
        return 0

    lax.fori_loop(0, ROWS_PER_TILE // ZROWS, zdrain, 0)
    plsc.subcore_barrier()

    base0 = c * E_DIR + s * E_PER_W
    rows = (rows0_v, rows1_v)
    srcs = (srcA_v, srcB_v)
    dsts = (dstA_v, dstB_v)
    gsems = (gsem0, gsem1)
    isems = (isem0, isem1)

    def stage_idx(chunk, b):
        pltpu.async_copy(src_hbm.at[pl.ds(base0 + chunk * CHUNK, CHUNK)],
                         srcs[b], isems[b])
        pltpu.async_copy(dst_hbm.at[pl.ds(base0 + chunk * CHUNK, CHUNK)],
                         dsts[b], isems[b])

    def wait_idx(b):
        pltpu.make_async_copy(src_hbm.at[pl.ds(0, CHUNK)], srcs[b], isems[b]).wait()
        pltpu.make_async_copy(dst_hbm.at[pl.ds(0, CHUNK)], dsts[b], isems[b]).wait()

    pltpu.sync_copy(src_hbm.at[pl.ds(base0, CHUNK)], srcA_v)
    pltpu.sync_copy(dst_hbm.at[pl.ds(base0, CHUNK)], dstA_v)
    pltpu.async_copy(g2_hbm.at[srcA_v], rows0_v, gsem0)
    stage_idx(1, 1)

    def outer(p, _):
        for b in range(2):
            i = p * 2 + b
            nb = 1 - b
            wait_idx(nb)
            pltpu.async_copy(g2_hbm.at[srcs[nb]], rows[nb], gsems[nb])
            pltpu.make_async_copy(g2_hbm.at[srcs[b]], rows[b], gsems[b]).wait()
            pltpu.sync_copy(rows[b], acc_sh.at[dsts[b]], add=True)
            nxt = jnp.minimum(i + 2, N_CHUNKS - 1)
            stage_idx(nxt, b)
        return 0

    lax.fori_loop(0, N_CHUNKS // 2, outer, 0)
    pltpu.make_async_copy(g2_hbm.at[srcA_v], rows0_v, gsem0).wait()
    wait_idx(1)
    plsc.subcore_barrier()

    pltpu.sync_copy(
        acc_sh.at[pl.ds(s * ROWS_PER_TILE, ROWS_PER_TILE)],
        out_hbm.at[pl.ds(c * N_PAD + s * ROWS_PER_TILE, ROWS_PER_TILE)],
    )


@jax.jit
def _edge_kernel(g2, src_flat, dst_flat):
    mesh = plsc.VectorSubcoreMesh(core_axis_name="c", subcore_axis_name="s")
    return pl.kernel(
        _edge_body,
        out_type=jax.ShapeDtypeStruct((NC * N_PAD, D), jnp.float32),
        mesh=mesh,
        scratch_types=[
            pltpu.VMEM((CHUNK,), jnp.int32),
            pltpu.VMEM((CHUNK,), jnp.int32),
            pltpu.VMEM((CHUNK,), jnp.int32),
            pltpu.VMEM((CHUNK,), jnp.int32),
            pltpu.VMEM((CHUNK, D), jnp.float32),
            pltpu.VMEM((CHUNK, D), jnp.float32),
            pltpu.VMEM((ZROWS, D), jnp.float32),
            pltpu.VMEM_SHARED((N_PAD, D), jnp.float32),
            pltpu.SemaphoreType.DMA,
            pltpu.SemaphoreType.DMA,
            pltpu.SemaphoreType.DMA,
            pltpu.SemaphoreType.DMA,
            pltpu.SemaphoreType.DMA,
        ],
        compiler_params=pltpu.CompilerParams(needs_layout_passes=False),
    )(g2, src_flat, dst_flat)


def _mlp_body(x_ref, w1_ref, b1_ref, w2_ref, b2_ref, o_ref):
    h1 = _leaky(
        jnp.dot(x_ref[...], w1_ref[...], preferred_element_type=jnp.float32)
        + b1_ref[...]
    )
    o_ref[...] = _leaky(
        jnp.dot(h1, w2_ref[...], preferred_element_type=jnp.float32) + b2_ref[...]
    )


def _mlp(x, w1, b1, w2, b2, blk):
    m, _ = x.shape
    d_out = w2.shape[1]
    grid = m // blk
    return pl.pallas_call(
        _mlp_body,
        grid=(grid,),
        in_specs=[
            pl.BlockSpec((blk, x.shape[1]), lambda i: (i, 0)),
            pl.BlockSpec(w1.shape, lambda i: (0, 0)),
            pl.BlockSpec((1, b1.shape[0]), lambda i: (0, 0)),
            pl.BlockSpec(w2.shape, lambda i: (0, 0)),
            pl.BlockSpec((1, b2.shape[0]), lambda i: (0, 0)),
        ],
        out_specs=pl.BlockSpec((blk, d_out), lambda i: (i, 0)),
        out_shape=jax.ShapeDtypeStruct((m, d_out), jnp.float32),
    )(x, w1, b1[None, :], w2, b2[None, :])


def _stats_body(hist_ref, o_ref):
    deg_col = jnp.sum(hist_ref[0], axis=0, keepdims=True) + 1.0
    deg_row = jnp.sum(hist_ref[1], axis=0, keepdims=True) + 1.0
    o_ref[0:1] = lax.rsqrt(deg_row)
    o_ref[1:2] = 1.0 / deg_row
    o_ref[2:3] = lax.rsqrt(deg_col)
    o_ref[3:4] = 1.0 / deg_col


@jax.jit
def _stats_kernel(hist):
    return pl.pallas_call(
        _stats_body,
        out_shape=jax.ShapeDtypeStruct((4, N_PAD), jnp.float32),
    )(hist)


def _prep_body(h_ref, wf_ref, bf_ref, rootf_ref, wr_ref, br_ref, rootr_ref,
               sc_ref, g2_ref, self_ref):
    h = h_ref[...]
    dis_row = sc_ref[0, :, :]
    inv_row = sc_ref[1, :, :]
    dis_col = sc_ref[2, :, :]
    inv_col = sc_ref[3, :, :]
    xf = jnp.dot(h, wf_ref[...], preferred_element_type=jnp.float32) + bf_ref[...]
    xr = jnp.dot(h, wr_ref[...], preferred_element_type=jnp.float32) + br_ref[...]
    g2_ref[0] = dis_row * jax.nn.relu(xf)
    g2_ref[1] = dis_col * jax.nn.relu(xr)
    self_ref[...] = (
        inv_row * jax.nn.relu(xf + rootf_ref[...])
        + inv_col * jax.nn.relu(xr + rootr_ref[...])
    )


def _prep(h, wf, bf, rootf, wr, br, rootr, sc4, blk):
    grid = N // blk
    g2, selfsum = pl.pallas_call(
        _prep_body,
        grid=(grid,),
        in_specs=[
            pl.BlockSpec((blk, D), lambda i: (i, 0)),
            pl.BlockSpec((D, D), lambda i: (0, 0)),
            pl.BlockSpec((1, D), lambda i: (0, 0)),
            pl.BlockSpec((1, D), lambda i: (0, 0)),
            pl.BlockSpec((D, D), lambda i: (0, 0)),
            pl.BlockSpec((1, D), lambda i: (0, 0)),
            pl.BlockSpec((1, D), lambda i: (0, 0)),
            pl.BlockSpec((4, blk, 1), lambda i: (0, i, 0)),
        ],
        out_specs=[
            pl.BlockSpec((2, blk, D), lambda i: (0, i, 0)),
            pl.BlockSpec((blk, D), lambda i: (i, 0)),
        ],
        out_shape=[
            jax.ShapeDtypeStruct((2, N, D), jnp.float32),
            jax.ShapeDtypeStruct((N, D), jnp.float32),
        ],
    )(h, wf, bf[None, :], rootf[None, :], wr, br[None, :], rootr[None, :], sc4)
    return g2, selfsum


def _post_body(aggf_ref, aggr_ref, sc_ref, self_ref, h_ref, g_ref, b_ref,
               o_ref, *, leaky):
    dis_row = sc_ref[0, :, :]
    dis_col = sc_ref[2, :, :]
    hh = dis_row * aggf_ref[0] + dis_col * aggr_ref[0] + self_ref[...]
    mu = jnp.mean(hh, axis=-1, keepdims=True)
    var = jnp.mean(hh * hh, axis=-1, keepdims=True) - mu * mu
    hh = (hh - mu) * lax.rsqrt(var + 1e-5) * g_ref[...] + b_ref[...]
    if leaky:
        hh = _leaky(hh)
    o_ref[...] = hh + h_ref[...]


def _post(agg, sc4, selfsum, h, ln_g, ln_b, leaky, blk):
    grid = N // blk
    return pl.pallas_call(
        functools.partial(_post_body, leaky=leaky),
        grid=(grid,),
        in_specs=[
            pl.BlockSpec((1, blk, D), lambda i: (0, i, 0)),
            pl.BlockSpec((1, blk, D), lambda i: (1, i, 0)),
            pl.BlockSpec((4, blk, 1), lambda i: (0, i, 0)),
            pl.BlockSpec((blk, D), lambda i: (i, 0)),
            pl.BlockSpec((blk, D), lambda i: (i, 0)),
            pl.BlockSpec((1, D), lambda i: (0, 0)),
            pl.BlockSpec((1, D), lambda i: (0, 0)),
        ],
        out_specs=pl.BlockSpec((blk, D), lambda i: (i, 0)),
        out_shape=jax.ShapeDtypeStruct((N, D), jnp.float32),
    )(agg, agg, sc4, selfsum, h, ln_g[None, :], ln_b[None, :])


def _postprep_body(aggf_ref, aggr_ref, sc_ref, self_ref, h_ref, g_ref, b_ref,
                   wf_ref, bf_ref, rootf_ref, wr_ref, br_ref, rootr_ref,
                   o_ref, g2_ref, self2_ref, *, leaky):
    dis_row = sc_ref[0, :, :]
    inv_row = sc_ref[1, :, :]
    dis_col = sc_ref[2, :, :]
    inv_col = sc_ref[3, :, :]
    hh = dis_row * aggf_ref[0] + dis_col * aggr_ref[0] + self_ref[...]
    mu = jnp.mean(hh, axis=-1, keepdims=True)
    var = jnp.mean(hh * hh, axis=-1, keepdims=True) - mu * mu
    hh = (hh - mu) * lax.rsqrt(var + 1e-5) * g_ref[...] + b_ref[...]
    if leaky:
        hh = _leaky(hh)
    h = hh + h_ref[...]
    o_ref[...] = h
    xf = jnp.dot(h, wf_ref[...], preferred_element_type=jnp.float32) + bf_ref[...]
    xr = jnp.dot(h, wr_ref[...], preferred_element_type=jnp.float32) + br_ref[...]
    g2_ref[0] = dis_row * jax.nn.relu(xf)
    g2_ref[1] = dis_col * jax.nn.relu(xr)
    self2_ref[...] = (
        inv_row * jax.nn.relu(xf + rootf_ref[...])
        + inv_col * jax.nn.relu(xr + rootr_ref[...])
    )


def _postprep(agg, sc4, selfsum, h, ln_g, ln_b, wf, bf, rootf, wr, br, rootr,
              leaky, blk):
    grid = N // blk
    full = lambda i: (0, 0)
    return pl.pallas_call(
        functools.partial(_postprep_body, leaky=leaky),
        grid=(grid,),
        in_specs=[
            pl.BlockSpec((1, blk, D), lambda i: (0, i, 0)),
            pl.BlockSpec((1, blk, D), lambda i: (1, i, 0)),
            pl.BlockSpec((4, blk, 1), lambda i: (0, i, 0)),
            pl.BlockSpec((blk, D), lambda i: (i, 0)),
            pl.BlockSpec((blk, D), lambda i: (i, 0)),
            pl.BlockSpec((1, D), full),
            pl.BlockSpec((1, D), full),
            pl.BlockSpec((D, D), full),
            pl.BlockSpec((1, D), full),
            pl.BlockSpec((1, D), full),
            pl.BlockSpec((D, D), full),
            pl.BlockSpec((1, D), full),
            pl.BlockSpec((1, D), full),
        ],
        out_specs=[
            pl.BlockSpec((blk, D), lambda i: (i, 0)),
            pl.BlockSpec((2, blk, D), lambda i: (0, i, 0)),
            pl.BlockSpec((blk, D), lambda i: (i, 0)),
        ],
        out_shape=[
            jax.ShapeDtypeStruct((N, D), jnp.float32),
            jax.ShapeDtypeStruct((2, N, D), jnp.float32),
            jax.ShapeDtypeStruct((N, D), jnp.float32),
        ],
    )(agg, agg, sc4, selfsum, h, ln_g[None, :], ln_b[None, :], wf, bf[None, :],
      rootf[None, :], wr, br[None, :], rootr[None, :])


@jax.jit
def kernel(x, x_net, edge_index, enc_W1, enc_b1, enc_W2, enc_b2, net_W1,
           net_b1, net_W2, net_b2, conv_W, conv_b, conv_root, reconv_W,
           reconv_b, reconv_root, ln_g, ln_b):
    row = edge_index[0]
    col = edge_index[1]
    src_flat = jnp.concatenate([row, col + N])
    dst_flat = jnp.concatenate([col, row])

    hist = _deg_kernel(dst_flat).reshape(NC, NS, N_PAD)
    sc4 = _stats_kernel(hist)
    sc4 = sc4[:, :N].reshape(4, N, 1)

    h_inst = _mlp(x, enc_W1, enc_b1, enc_W2, enc_b2, blk=1000)
    h_net = _mlp(x_net, net_W1, net_b1, net_W2, net_b2, blk=1000)
    h = jnp.concatenate([h_inst, h_net], axis=0)

    h0 = h
    g2, selfsum = _prep(h0, conv_W[0], conv_b[0], conv_root[0],
                        reconv_W[0], reconv_b[0], reconv_root[0],
                        sc4, blk=2000)
    agg = _edge_kernel(g2.reshape(2 * N, D), src_flat, dst_flat)
    agg = agg.reshape(2, N_PAD, D)
    h1, g2, selfsum = _postprep(agg, sc4, selfsum, h0, ln_g[0], ln_b[0],
                                conv_W[1], conv_b[1], conv_root[1],
                                reconv_W[1], reconv_b[1], reconv_root[1],
                                leaky=True, blk=2000)
    agg = _edge_kernel(g2.reshape(2 * N, D), src_flat, dst_flat)
    agg = agg.reshape(2, N_PAD, D)
    h2 = _post(agg, sc4, selfsum, h1, ln_g[1], ln_b[1], leaky=False, blk=2000)
    return jnp.concatenate([h0, h1, h2], axis=1)

# --- scband reference (transcript-rebuilt; emitter-appended) ---
"""Pipeline reference for scband-gnn-node-30279519437414 (READ-ONLY COPY).

The authoritative reference and input builder live on the scoring server;
editing this copy changes nothing except your own understanding.
"""

import jax, jax.numpy as jnp
import numpy as np

NUM_LAYER = 2
EMB = 128
NODE_DIM = 128
NET_DIM = 128
N_INST = 10000
N_NET = 2000
N_EDGES = 320000


def _w(k, shape, fan):
    return jax.random.normal(k, shape, dtype=jnp.float32) * (1.0 / np.sqrt(fan))


def setup_inputs(seed: int = 0):
    key = jax.random.key(seed)
    ks = jax.random.split(key, 20)
    N = N_INST + N_NET
    L = NUM_LAYER
    inp = {}
    inp["x"] = jax.random.normal(ks[0], (N_INST, NODE_DIM), dtype=jnp.float32)
    inp["x_net"] = jax.random.normal(ks[1], (N_NET, NET_DIM), dtype=jnp.float32)
    inp["edge_index"] = jax.random.randint(ks[2], (2, N_EDGES), 0, N, dtype=jnp.int32)
    inp["enc_W1"] = _w(ks[3], (NODE_DIM, 2 * EMB), NODE_DIM)
    inp["enc_b1"] = jnp.zeros((2 * EMB,), jnp.float32)
    inp["enc_W2"] = _w(ks[4], (2 * EMB, EMB), 2 * EMB)
    inp["enc_b2"] = jnp.zeros((EMB,), jnp.float32)
    inp["net_W1"] = _w(ks[5], (NET_DIM, EMB), NET_DIM)
    inp["net_b1"] = jnp.zeros((EMB,), jnp.float32)
    inp["net_W2"] = _w(ks[6], (EMB, EMB), EMB)
    inp["net_b2"] = jnp.zeros((EMB,), jnp.float32)
    inp["conv_W"] = _w(ks[7], (L, EMB, EMB), EMB)
    inp["conv_b"] = jnp.zeros((L, EMB), jnp.float32)
    inp["conv_root"] = _w(ks[8], (L, EMB), EMB)
    inp["reconv_W"] = _w(ks[9], (L, EMB, EMB), EMB)
    inp["reconv_b"] = jnp.zeros((L, EMB), jnp.float32)
    inp["reconv_root"] = _w(ks[10], (L, EMB), EMB)
    inp["ln_g"] = jnp.ones((L, EMB), jnp.float32)
    inp["ln_b"] = jnp.zeros((L, EMB), jnp.float32)
    return inp


def _leaky(v):
    return jnp.where(v >= 0, v, 0.1 * v)


def _gcn_conv(h, r, c, W, b, root, N):
    # GCNConv: linear, symmetric degree norm, message = norm * relu(x_j) aggregated
    # by scatter-add onto target nodes, plus root/self term scaled by 1/deg.
    xl = h @ W + b
    deg = jnp.zeros((N,), xl.dtype).at[r].add(1.0) + 1.0
    dis = deg ** -0.5
    norm = dis[r] * dis[c]
    msg = norm[:, None] * jax.nn.relu(xl[r])
    agg = jnp.zeros_like(xl).at[c].add(msg)
    return agg + jax.nn.relu(xl + root[None, :]) / deg[:, None]


def reference(x, x_net, edge_index, enc_W1, enc_b1, enc_W2, enc_b2, net_W1, net_b1, net_W2, net_b2, conv_W, conv_b, conv_root, reconv_W, reconv_b, reconv_root, ln_g, ln_b):
    h_inst = _leaky(_leaky(x @ enc_W1 + enc_b1) @ enc_W2 + enc_b2)
    h_net = _leaky(_leaky(x_net @ net_W1 + net_b1) @ net_W2 + net_b2)
    h = jnp.concatenate([h_inst, h_net], axis=0)
    N = h.shape[0]
    row, col = edge_index[0], edge_index[1]
    h_list = [h]
    for l in range(NUM_LAYER):
        h_f = _gcn_conv(h_list[l], row, col, conv_W[l], conv_b[l], conv_root[l], N)
        h_r = _gcn_conv(h_list[l], col, row, reconv_W[l], reconv_b[l], reconv_root[l], N)
        hh = h_f + h_r
        mu = jnp.mean(hh, axis=-1, keepdims=True)
        var = jnp.var(hh, axis=-1, keepdims=True)
        hh = (hh - mu) / jnp.sqrt(var + 1e-5) * ln_g[l] + ln_b[l]
        if l != NUM_LAYER - 1:
            hh = _leaky(hh)
        hh = hh + h_list[l]
        h_list.append(hh)
    return jnp.concatenate(h_list, axis=1)

if __name__ == "__main__":
    import jax
    _d = setup_inputs()
    print(jax.jit(kernel)(*tuple(_d.values())))

</pallas_src>

<mosaic_0001>
#map = affine_map<(d0, d1) -> (0)>
module attributes {stable_mosaic.version = 14 : i64} {
  func.func @_deg_body(%arg0: i32, %arg1: i32, %arg2: memref<640000xi32, #tpu.memory_space<hbm>>, %arg3: memref<393216xf32, #tpu.memory_space<hbm>>, %arg4: memref<12288xf32, #tpu.memory_space<vmem>>, %arg5: memref<20000xi32, #tpu.memory_space<vmem>>) attributes {dimension_semantics = [#tpu.dimension_semantics<core_parallel>, #tpu.dimension_semantics<subcore_parallel>], iteration_bounds = array<i64: 2, 16>, scalar_prefetch = 0 : i64, scratch_operands = 2 : i64, tpu.core_type = #tpu.core_type<sc_vector_subcore>, window_params = [{transform_indices = #map}, {transform_indices = #map}]} {
    %broadcast_in_dim3A = arith.constant 0.000000e+00 : f32
    %broadcast_in_dim3A_0 = vector.broadcast %broadcast_in_dim3A : f32 to vector<16xf32>
    %broadcast_in_dim3A_1 = arith.constant 1.000000e+00 : f32
    %broadcast_in_dim3A_2 = vector.broadcast %broadcast_in_dim3A_1 : f32 to vector<16xf32>
    %scan3A = arith.constant 0 : i32
    %scan3A_3 = arith.constant 0 : i32
    %scan3A_4 = arith.constant 768 : i32
    %scan3A_5 = arith.addi %scan3A_3, %scan3A_4 : i32
    %scan3A_6 = arith.constant 1 : i32
    %scan3A_7 = scf.for %scan3A_24 = %scan3A_3 to %scan3A_5 step %scan3A_6 iter_args(%scan3A_25 = %scan3A) -> (i32)  : i32 {
      %mul3A_26 = arith.constant 16 : i32
      %mul3A_27 = arith.muli %scan3A_24, %mul3A_26 : i32
      %swap3A = arith.index_cast %mul3A_27 : i32 to index
      %swap3A_28 = tpu.vector_load %arg4[%swap3A] {strides = array<i32>} : memref<12288xf32, #tpu.memory_space<vmem>>, vector<16xf32>,
      tpu.vector_store %arg4[%swap3A], %broadcast_in_dim3A_0 {strides = array<i32>} : memref<12288xf32, #tpu.memory_space<vmem>>, vector<16xf32>,
      %scan3A_29 = arith.constant 0 : i32
      scf.yield %scan3A_29 : i32
    }
    %scan3A_8 = arith.constant 768 : i32
    %mul3A = arith.constant 320000 : i32
    %mul3A_9 = arith.muli %arg0, %mul3A : i32
    %mul3A_10 = arith.constant 20000 : i32
    %mul3A_11 = arith.muli %arg1, %mul3A_10 : i32
    %add3A = arith.addi %mul3A_9, %mul3A_11 : i32
    "tpu.region"() ({
      %run_scoped3A = tpu.sem_alloc : memref<!tpu.dma_semaphore, #tpu.memory_space<semaphore_mem>>
      %dma_start3A = tpu.memref_slice %arg2[%add3A] : memref<640000xi32, #tpu.memory_space<hbm>> -> memref<20000xi32, #tpu.memory_space<hbm>>
      %dma_start3A_24 = tpu.memref_slice %arg2[%add3A] : memref<640000xi32, #tpu.memory_space<hbm>> -> memref<20000xi32, #tpu.memory_space<hbm>>
      tpu.enqueue_dma source(%dma_start3A_24 : memref<20000xi32, #tpu.memory_space<hbm>>) target(%arg5 : memref<20000xi32, #tpu.memory_space<vmem>>) target_semaphore(%run_scoped3A : memref<!tpu.dma_semaphore, #tpu.memory_space<semaphore_mem>>)
      %dma_wait3A = tpu.memref_slice %arg2[%add3A] : memref<640000xi32, #tpu.memory_space<hbm>> -> memref<20000xi32, #tpu.memory_space<hbm>>
      %dma_wait3A_25 = tpu.memref_slice %arg2[%add3A] : memref<640000xi32, #tpu.memory_space<hbm>> -> memref<20000xi32, #tpu.memory_space<hbm>>
      tpu.wait_dma2 semaphore(%run_scoped3A : memref<!tpu.dma_semaphore, #tpu.memory_space<semaphore_mem>>) src(%dma_wait3A_25 : memref<20000xi32, #tpu.memory_space<hbm>>) dst(%arg5 : memref<20000xi32, #tpu.memory_space<vmem>>)
      tpu.yield
    }) : () -> ()
    %scan3A_12 = arith.constant 0 : i32
    %scan3A_13 = arith.constant 0 : i32
    %scan3A_14 = arith.constant 1250 : i32
    %scan3A_15 = arith.addi %scan3A_13, %scan3A_14 : i32
    %scan3A_16 = arith.constant 1 : i32
    %scan3A_17 = scf.for %scan3A_24 = %scan3A_13 to %scan3A_15 step %scan3A_16 iter_args(%scan3A_25 = %scan3A_12) -> (i32)  : i32 {
      %mul3A_26 = arith.constant 16 : i32
      %mul3A_27 = arith.muli %scan3A_24, %mul3A_26 : i32
      %get3A = arith.index_cast %mul3A_27 : i32 to index
      %get3A_28 = tpu.vector_load %arg5[%get3A] {strides = array<i32>} : memref<20000xi32, #tpu.memory_space<vmem>>, vector<16xi32>,
      tpu.vector_store_idx %arg4[%get3A_28], %broadcast_in_dim3A_2 {add = true} : memref<12288xf32, #tpu.memory_space<vmem>>[vector<16xi32>], vector<16xf32>,
      %scan3A_29 = arith.constant 0 : i32
      scf.yield %scan3A_29 : i32
    }
    %scan3A_18 = arith.constant 1250 : i32
    %mul3A_19 = arith.constant 16 : i32
    %mul3A_20 = arith.muli %arg0, %mul3A_19 : i32
    %add3A_21 = arith.addi %mul3A_20, %arg1 : i32
    %mul3A_22 = arith.constant 12288 : i32
    %mul3A_23 = arith.muli %add3A_21, %mul3A_22 : i32
    "tpu.region"() ({
      %run_scoped3A = tpu.sem_alloc : memref<!tpu.dma_semaphore, #tpu.memory_space<semaphore_mem>>
      %dma_start3A = tpu.memref_slice %arg3[%mul3A_23] : memref<393216xf32, #tpu.memory_space<hbm>> -> memref<12288xf32, #tpu.memory_space<hbm>>
      %dma_start3A_24 = tpu.memref_slice %arg3[%mul3A_23] : memref<393216xf32, #tpu.memory_space<hbm>> -> memref<12288xf32, #tpu.memory_space<hbm>>
      tpu.enqueue_dma source(%arg4 : memref<12288xf32, #tpu.memory_space<vmem>>) target(%dma_start3A_24 : memref<12288xf32, #tpu.memory_space<hbm>>) target_semaphore(%run_scoped3A : memref<!tpu.dma_semaphore, #tpu.memory_space<semaphore_mem>>)
      %dma_wait3A = tpu.memref_slice %arg3[%mul3A_23] : memref<393216xf32, #tpu.memory_space<hbm>> -> memref<12288xf32, #tpu.memory_space<hbm>>
      %dma_wait3A_25 = tpu.memref_slice %arg3[%mul3A_23] : memref<393216xf32, #tpu.memory_space<hbm>> -> memref<12288xf32, #tpu.memory_space<hbm>>
      tpu.wait_dma2 semaphore(%run_scoped3A : memref<!tpu.dma_semaphore, #tpu.memory_space<semaphore_mem>>) src(%arg4 : memref<12288xf32, #tpu.memory_space<vmem>>) dst(%dma_wait3A_25 : memref<12288xf32, #tpu.memory_space<hbm>>)
      tpu.yield
    }) : () -> ()
    return
  }
}

</mosaic_0001>

<sc_bundles>
// kernel: _deg_kernel.3.cloned.1.call-start
scs
__scs_entry_jumppad:
0x0: {  	(pc) =	sbr.rel $0x88, $3  }
0x1: {  	(tag) =	ssettag $0x0;
	lr =	simm.s32 $0x1  }
0x2: {  	[smem:$0x3FA0] =	sst lr;
	_ =	strace $0xD0000000  }
0x3: {  	_ = 	snop  }
0x4: {  	_ = 	snop  }
0x5: {  	_ = 	snop  }
0x6: {  	_ = 	snop  }
0x7: {  	_ = 	snop  }
__scs_overlays_trampoline_lowered:
0x8: {  	[smem:$0x3FAF] =	sst s0  }
0x9: {  	[smem:$0x3FB0] =	sst s1  }
0xa: {  	[smem:$0x3FB1] =	sst s2  }
0xb: {  	[smem:$0x3FB2] =	sst s3  }
0xc: {  	[smem:$0x3FB3] =	sst s4  }
0xd: {  	[smem:$0x3FB4] =	sst s5  }
0xe: {  	[smem:$0x3FB5] =	sst s6  }
0xf: {  	[smem:$0x3FB6] =	sst s7  }
0x10: {  	[smem:$0x3FB7] =	sst s8  }
0x11: {  	[smem:$0x3FB8] =	sst s9;
	s0 =	simm.s32 @!p0 $0x0  }
0x12: {  	s1 =	sld [smem:$0x3F9E];
	s0 =	simm.s32 @p0 $0x1  }
0x13: {  	[smem:$0x3FB9] =	sst s0;
	s0 =	simm.s32 @!p1 $0x0  }
0x14: {  	s2 =	sld [smem:$0x3F9D];
	s0 =	simm.s32 @p1 $0x1  }
0x15: {  	[smem:$0x3FBA] =	sst s0;
	s0 =	simm.s32 @!p2 $0x0  }
0x16: {  	s3 =	sld [smem:$0x3FDB];
	s0 =	simm.s32 @p2 $0x1  }
0x17: {  	s4 =	simm.s32 $0x1BF5;
	[smem:$0x3FBC] =	sst s0  }
0x18: {  	s0 =	sld [smem:$0x3F9F];
	_ =	swait.ge [sflag:s4], $0x0  }
0x19: {  	s7 =	sld [smem:$0x3FA0]  }
0x1a: {  	s8 =	sadd.s32 $0xFFFFE003, lr  }
0x1b: {  	s9 =	sadd.s32 $0xFFFFFEF7, lr;
	s5 =	simm.s32 $0xFFFFFFFF;
	p2 =	slt.u32 s8, $0xFFFFF086  }
0x1c: {  	p1 =	slt.u32 s9, $0xF7A;
	s5 =	simm.s32 @!p2 $0x0  }
0x1d: {  	s5 =	simm.s32 @p1 $0x1;
	p0 =	seq.s32 s7, s2  }
0x1e: {  	s7 =	smul.u32 @!p0 $0xF7A, s2;
	p2 =	seq.s32 @!p0 s5, $0x0  }
0x1f: {  	s9 =	smul.u32 $0xF7A, s1;
	s8 =	simm.s32 @!p0 $0x1BF5;
	p2 =	por !p2, p0  }
0x20: {  	[sflag:s8] =	ssyncset.s32 @!p0 $0xFFFFF086;
	s6 =	sadd.s32 @!p0 s3, s7;
	s7 =	simm.s32 @!p0 $0x108  }
0x21: {  	s3 =	sadd.s32 s3, s9;
	s6 =	sadd.s32 @!p0 $0x88, s6;
	s7 =	simm.s32 @p2 $0x1082  }
0x22: {  	[simem:s7], [sflag:s8] =	dma.local @!p0 [hbm:s6], $0xF7A  }
0x23: {  	s9 =	sor.u32 $0xD0000000, s2;
	s6 =	simm.s32 $0x108;
	_ =	swait.ge @!p0 [sflag:s8], $0x0  }
0x24: {  	s3 =	sadd.s32 $0x88, s3;
	s6 =	simm.s32 @!p1 $0x1082;
	[sflag:s4] =	ssyncset.s32 $0xFFFFF086  }
0x25: {  	[simem:s6], [sflag:s4] =	dma.local [hbm:s3], $0xF7A  }
0x26: {  	[smem:$0x3FA0] =	sst s1;
	(tag) =	ssettag s2;
	_ =	strace s9  }
0x27: {  	s1 =	sld [smem:$0x3FB0]  }
0x28: {  	s2 =	sld [smem:$0x3FB1]  }
0x29: {  	s4 =	sld [smem:$0x3FB3]  }
0x2a: {  	p0 =	seq.s32 s5, $0x0;
	s5 =	sld [smem:$0x3FB4]  }
0x2b: {  	s6 =	sld [smem:$0x3FB5]  }
0x2c: {  	s7 =	sld [smem:$0x3FB6]  }
0x2d: {  	s3 =	simm.s32 $0x108;
	s8 =	sld [smem:$0x3FB7]  }
0x2e: {  	s3 =	simm.s32 @!p0 $0x1082;
	s9 =	sld [smem:$0x3FB8]  }
0x2f: {  	lr =	sadd.s32 s0, s3;
	s0 =	sld [smem:$0x3FAF]  }
0x30: {  	s3 =	sld [smem:$0x3FB2]  }
0x31: {  	[smem:$0x3FBB] =	sst s10  }
0x32: {  	s10 =	sld [smem:$0x3FB9];
	_ =	sdelay $0x3  }
0x33: {  	p0 =	seq.s32 s10, $0x1;
	s10 =	sld [smem:$0x3FBB];
	_ =	sdelay $0x3  }
0x34: {  	[smem:$0x3FBB] =	sst s10  }
0x35: {  	s10 =	sld [smem:$0x3FBA];
	_ =	sdelay $0x3  }
0x36: {  	p1 =	seq.s32 s10, $0x1;
	s10 =	sld [smem:$0x3FBB];
	_ =	sdelay $0x3  }
0x37: {  	[smem:$0x3FBB] =	sst s10  }
0x38: {  	s10 =	sld [smem:$0x3FBC]  }
0x39: {  	_ = 	snop;
	(pc) =	sbr.ind lr, $3  }
0x3a: {  	_ = 	snop  }
0x3b: {  	_ = 	snop  }
0x3c: {  	p2 =	seq.s32 s10, $0x1;
	s10 =	sld [smem:$0x3FBB]  }
0x3d: {  	_ =	shalt  }
0x3e: {  	_ =	shalt  }
0x3f: {  	_ =	shalt  }
0x40: {  	_ =	shalt  }
0x41: {  	_ =	shalt  }
0x42: {  	_ =	shalt  }
0x43: {  	_ =	shalt  }
0x44: {  	_ =	shalt  }
0x45: {  	_ =	shalt  }
0x46: {  	_ =	shalt  }
0x47: {  	_ =	shalt  }
0x48: {  	_ =	shalt  }
0x49: {  	_ =	shalt  }
0x4a: {  	_ =	shalt  }
0x4b: {  	_ =	shalt  }
0x4c: {  	_ =	shalt  }
0x4d: {  	_ =	shalt  }
0x4e: {  	_ =	shalt  }
0x4f: {  	_ =	shalt  }
0x50: {  	_ =	shalt  }
0x51: {  	_ =	shalt  }
0x52: {  	_ =	shalt  }
0x53: {  	_ =	shalt  }
0x54: {  	_ =	shalt  }
0x55: {  	_ =	shalt  }
0x56: {  	_ =	shalt  }
0x57: {  	_ =	shalt  }
0x58: {  	_ =	shalt  }
0x59: {  	_ =	shalt  }
0x5a: {  	_ =	shalt  }
0x5b: {  	_ =	shalt  }
0x5c: {  	_ =	shalt  }
0x5d: {  	_ =	shalt  }
0x5e: {  	_ =	shalt  }
0x5f: {  	_ =	shalt  }
0x60: {  	_ =	shalt  }
0x61: {  	_ =	shalt  }
0x62: {  	_ =	shalt  }
0x63: {  	_ =	shalt  }
0x64: {  	_ =	shalt  }
0x65: {  	_ =	shalt  }
0x66: {  	_ =	shalt  }
0x67: {  	_ =	shalt  }
0x68: {  	_ =	shalt  }
0x69: {  	_ =	shalt  }
0x6a: {  	_ =	shalt  }
0x6b: {  	_ =	shalt  }
0x6c: {  	_ =	shalt  }
0x6d: {  	_ =	shalt  }
0x6e: {  	_ =	shalt  }
0x6f: {  	_ =	shalt  }
0x70: {  	_ =	shalt  }
0x71: {  	_ =	shalt  }
0x72: {  	_ =	shalt  }
0x73: {  	_ =	shalt  }
0x74: {  	_ =	shalt  }
0x75: {  	_ =	shalt  }
0x76: {  	_ =	shalt  }
0x77: {  	_ =	shalt  }
0x78: {  	_ =	shalt  }
0x79: {  	_ =	shalt  }
0x7a: {  	_ =	shalt  }
0x7b: {  	_ =	shalt  }
0x7c: {  	_ =	shalt  }
0x7d: {  	_ =	shalt  }
0x7e: {  	_ =	shalt  }
0x7f: {  	_ =	shalt  }
0x80: {  	_ =	shalt  }
0x81: {  	_ =	shalt  }
0x82: {  	_ =	shalt  }
0x83: {  	_ =	shalt  }
0x84: {  	_ =	shalt  }
0x85: {  	_ =	shalt  }
0x86: {  	_ =	shalt  }
0x87: {  	_ =	shalt  }
.Lfunc_end0:
.L_simem_size_0:
called_computation_lowered:
.L_overlay_start_0:
0x88: {  	s2 =	sld [smem:$0x3FD9]  }
0x89: {  	s3 =	sld [smem:$0x3FFE];
	_ =	sdelay $0x1  }
0x8a: {  	s1 =	srdreg.scid  }
0x8b: {  	s0 =	sand.u32 $0x1, s1  }
0x8c: {  	s18 =	sshll.u32 s0, $0xA;
	s2 =	sadd.s32 s3, s2  }
0x8d: {  	s2 =	sadd.s32 s2, s18  }
0x8e: {  	[smem:$0x3FC7] =	sst s2  }
0x8f: {  	_ = 	snop  }
0x90: {  	s2 =	sld [smem:$0x3FC9]  }
0x91: {  	s19 =	sld [smem:$0x3FD0];
	(tm) =	ssettm $0x1  }
0x92: {  	s4 =	sld [smem:$0x3FFB];
	_ =	sdelay $0x3  }
0x93: {  	_ =	strace s4  }
0x94: {  	s4 =	sld [smem:$0x3FFC];
	_ =	sdelay $0x3  }
0x95: {  	_ =	strace s4  }
0x96: {  	s4 =	sld [smem:$0x3FFD];
	_ =	sdelay $0x3  }
0x97: {  	_ =	strace s4  }
0x98: {  	_ =	strace $0x8FFFFFFF  }
0x99: {  	s20 =	sld [smem:$0x3FDB];
	_ =	sdelay $0x1  }
0x9a: {  	s5 =	simm.s32 $_scs_section_size  }
0x9b: {  	s6 =	simm.s32 $_size__tile_overlayer_lowered;
	s7 =	simm.s32 $_tile_overlayer_lowered  }
0x9c: {  	s23 =	simm.s32 $0x1BFF;
	s22 =	sshll.u32 s7, $0x1;
	s4 =	sadd.s32 s5, s20  }
0x9d: {  	s8 =	simm.s32 $0x0;
	s21 =	sshll.u32 s6, $0x1;
	s6 =	sadd.s32 s22, s4  }
0x9e: {  	[timem:s8], [sflag:s23] =	dma.local [hbm:s6], s21  }
0x9f: {  	_ =	swait.ge [sflag:s23], s21  }
0xa0: {  	s5 =	ssub.s32 $0x0, s21;
	[sflag:s23] =	ssyncset.done $0x0  }
0xa1: {  	[sflag:s23] =	ssyncadd.s32 s5;
	_ =	sdelay $0x1  }
0xa2: {  	s24 =	simm.s32 $0x1B8B  }
0xa3: {  	_ =	swait.ge [sflag:s24], $0x1  }
0xa4: {  	[sflag:s24] =	ssyncset.done $0x0  }
0xa5: {  	s25 =	simm.s32 $0x1B8E;
	[sflag:s24] =	ssyncadd.s32 $0xFFFFFFFF  }
0xa6: {  	s26 =	simm.s32 $execute0_lowered;
	[smem:$0x3FD2] =	sst s25  }
0xa7: {  	s5 =	sshll.u32 s26, $0x1;
	_ =	strace $0x80000046;
	[dreg:$0x1] =	wrdreg $0xFFFFFFFF  }
0xa8: {  	s28 =	simm.s32 $_size_execute0_lowered;
	s4 =	sadd.s32 s4, s5;
	[dreg:$0x0] =	wrdreg $0x0  }
0xa9: {  	s5 =	sshll.u32 s28, $0x1;
	[dreg:$0x2] =	wrdreg s4  }
0xaa: {  	[dreg:$0x3] =	wrdreg s5  }
0xab: {  	[dreg:$0x4] =	wrdreg $0xC0  }
0xac: {  	_ =	task [dreg:s8], $0x5FFFF  }
0xad: {  	[dreg:$0x1] =	wrdreg $0xFFFFFFFF  }
0xae: {  	[dreg:$0x0] =	wrdreg $0x60  }
0xaf: {  	[dreg:$0x2] =	wrdreg s2  }
0xb0: {  	[dreg:$0x3] =	wrdreg s19  }
0xb1: {  	[dreg:$0x4] =	wrdreg $0x9  }
0xb2: {  	_ =	task.clear_ibuf [dreg:s8], $0x5FFFF;
	_ =	strace $0x90000046  }
0xb3: {  	s29 =	simm.s32 $0x9;
	_ =	strace $0x80000048  }
0xb4: {  	_ =	swait.ge [sflag:s29], $0x1  }
0xb5: {  	[sflag:s29] =	ssyncadd.s32 $0xFFFFFFFF  }
0xb6: {  	_ =	strace $0x90000048  }
0xb7: {  	_ =	sfence  }
0xb8: {  	s30 =	sld [smem:$0x0];
	_ =	sdelay $0x2  }
0xb9: {  	s31 =	sshll.u32 s1, $0xD;
	s1 =	sshrl.u32 s1, $0x2  }
0xba: {  	s3 =	sand.u32 $0x4000, s31;
	s1 =	sadd.s32 s1, s30  }
0xbb: {  	s0 =	sor.u32 s3, s0;
	s1 =	sshll.u32 s1, $0x11  }
0xbc: {  	s0 =	sor.u32 s1, s0  }
0xbd: {  	s0 =	sadd.s32 $0x8F2B, s0  }
0xbe: {  	[sflag:s0] =	ssyncadd.remote.s32 $0x1  }
0xbf: {  	_ =	sfence.sel $0xFFFF  }
0xc0: {  	[dreg:$0x0] =	wrdreg $0xFFFFFFFF;
	(pc) =	sbr.abs _section_cstart, $3  }
0xc1: {  	[dreg:$0x1] =	wrdreg $0xFFFFFFFF  }
0xc2: {  	_ =	task.clear_ibuf [dreg:s8], $0x2FFFF;
	_ =	strace $0x9FFFFFFF  }
0xc3: {  	(tm) =	ssettm $0x7FFFFFFF  }
tec
execute0_lowered:
.L_overlay_start_1:
0x0: {  	(tag) =	ssettag $0x1  }
0x1: {  	s3 =	rddreg [dreg:$0x0]  }
0x2: {  	s4 =	rddreg [dreg:$0x1];
	s1 =	srdreg.scid  }
0x3: {  	s0 =	rddreg [dreg:$0x2];
	s5 =	sand.u32 $0x1, s1  }
0x4: {  	s2 =	simm.s32 $0x0;
	s1 =	stileid.u32;
	s6 =	smul.u32 $0x4E200, s5  }
0x5: {  	[smem:$0x7FF] =	sst s2;
	s7 =	smul.u32 $0x4E20, s1  }
0x6: {  	s8 =	sshll.u32 s5, $0x4;
	s5 =	ssub.s32 $0x2, s5;
	_ =	strace $0x80000047  }
0x7: {  	s8 =	sor.u32 s1, s8;
	s31 =	sshrl.u32 s5, $0x1;
	s6 =	sadd.s32 s7, s6  }
0x8: {  	s8 =	smul.u32 $0x600, s8;
	s5 =	ssub.s32 s5, s31;
	s6 =	sshrl.u32 s6, $0x3  }
0x9: {  	s7 =	simm.s32 $0x1;
	s5 =	smax.u32 s5, $0x1;
	s3 =	sadd.s32 s3, s6  }
0xa: {  	v0 =	vimm.f32 $0.0e+00;
	v1 =	vimm.f32 $1.000000000e+00;
	s4 =	sadd.s32 s4, s8;
	s6 =	simm.s32 $0x3000;
	s8 =	simm.s32 $0x0  }
.LBB2_1:
0xb: {  	s9 =	simm.s32 $0x40;
	s10 =	simm.s32 $0x0  }
.LBB2_2:
0xc: {  	p0 =	sne.s32 s9, $0xBFC0;
	[tilespmem:s10+$0x0] =	vst v0;
	s10 =	smov.u32 s9;
	s9 =	sadd.s32 $0x40, s9  }
.Ltmp0:
0xd: {  	(pc) =	sbr.rel @p0 .LBB2_2-.Ltmp0, $2  }
0xe: {  	_ =	sdelay $0x2  }
0xf: {  	s10 =	sshra.s32 s10, $0x2  }
0x10: {  	[tilespmem:s10+$0x0] =	vst v0;
	s9 =	simm.s32 $0x0  }
0x11: {  	[tilespmem:s6], [sflag:$0x1] =	stream.linear.gather [hbm4b:s3+s9], $0x4E20, $0x38;
	[tilespmem:$0x7E80] =	vst v63  }
0x12: {  	_ =	swait.ge [sflag:s7], $0x4E20  }
0x13: {  	[sflag:s7] =	ssyncset.done $0x0  }
0x14: {  	s10 =	simm.s32 $0x0;
	s9 =	simm.s32 $0x40;
	[sflag:s7] =	ssyncadd.s32 $0xFFFFB1E0  }
.LBB2_4:
0x15: {  	p0 =	sne.s32 s9, $0x13840;
	v2 =	vld [tilespmem:s10+$0x3000];
	_ =	sdelay $0x3  }
.Ltmp1:
0x16: {  	(pc) =	sbr.rel @p0 .LBB2_4-.Ltmp1, $2  }
0x17: {  	_ =	sdelay $0x2  }
0x18: {  	s10 =	sshra.s32 s9, $0x2;
	s9 =	sadd.s32 $0x40, s9;
	[tilespmem:v2+s2+$0x0] =	vst.idx.add.f32.msk $0xffff, v1  }
0x19: {  	v2 =	vld [tilespmem:s10+$0x3000];
	_ =	sdelay $0x5  }
0x1a: {  	s8 =	sadd.s32 $0x1, s8  }
0x1b: {  	p0 =	sne.s32 s8, s5  }
.Ltmp2:
0x1c: {  	[tilespmem:v2+s2+$0x0] =	vst.idx.add.f32.msk $0xffff, v1;
	(pc) =	sbr.rel @p0 .LBB2_1-.Ltmp2, $4  }
0x1d: {  	[hbm4b:s4+s2] =	stream.linear.scatter [tilespmem:s2], [sflag:$0x1], $0x3000, $0x38;
	[tilespmem:$0x7E80] =	vst v63  }
0x1e: {  	_ =	swait.ge [sflag:s7], $0x3000  }
0x1f: {  	[sflag:s7] =	ssyncset.done $0x0  }
0x20: {  	[sflag:s7] =	ssyncadd.s32 $0xFFFFD000  }
0x21: {  	_ =	sfence.sel $0x180000  }
0x22: {  	[bflag:$0x0] =	sbarrier.arrive $0xFFFF  }
0x23: {  	p0 =	sne.s32 s1, $0x0;
	_ =	strace $0x90000047  }
0x24: {  	s0 =	sadd.s32 @!p0 $0x100000, s0;
	[bflag:$0x2] =	sbarrier.arrive $0xFFFF  }
0x25: {  	[sflag:s0] =	ssyncadd.tile.s32 @!p0 $0x1;
	_ =	shalt  }
.Lfunc_end2:
_tile_overlayer_lowered:
.L_overlay_start_2:
0x26: {  	(tag) =	ssettag $0x2  }
0x27: {  	s0 =	rddreg [dreg:$0x0];
	s2 =	stileid.u32  }
0x28: {  	s1 =	rddreg [dreg:$0x1];
	p0 =	sne.s32 s2, $0x0  }
0x29: {  	s3 =	rddreg [dreg:$0x2];
	[bflag:$0x3] =	sbarrier.arrive $0xFFFF;
	s2 =	simm.s32 @!p0 $0x1C01  }
0x2a: {  	[timem:s3], [sflag:s2] =	dma.local @!p0 [hbm:s0], s1  }
0x2b: {  	s0 =	simm.s32 @!p0 $0x1  }
0x2c: {  	_ =	swait.ge @!p0 [sflag:s0], s1  }
0x2d: {  	s1 =	ssub.s32 @!p0 $0x0, s1;
	[sflag:s0] =	ssyncset.done @!p0 $0x0  }
0x2e: {  	[sflag:s0] =	ssyncadd.s32 @!p0 s1  }
0x2f: {  	[bflag:$0x3] =	sbarrier.arrive $0xFFFF  }
0x30: {  	_ =	shalt  }

</sc_bundles>
